<compile_context>
chip_gen: v7x
topology: tpu7x:2x2x1
jax: 0.10.2.dev20260603
libtpu: 0.0.44.dev20260713+nightly
codegen_flags: <defaults>
</compile_context>

<pallas_src>
import jax
import jax.numpy as jnp
from jax.experimental import pallas as pl

C_BLK = 8


def _row_matrix(kh):
    o = jax.lax.broadcasted_iota(jnp.int32, (112, 224), 0)
    h = jax.lax.broadcasted_iota(jnp.int32, (112, 224), 1)
    src = 4 * (o // 2) + 2 * kh + (o % 2)
    return (h == src).astype(jnp.bfloat16)


def _col_matrix():
    w = jax.lax.broadcasted_iota(jnp.int32, (224, 256), 0)
    b = jax.lax.broadcasted_iota(jnp.int32, (224, 256), 1)
    kw = b // 128
    wo = b % 128
    return ((w == 2 * wo + kw) & (wo < 112)).astype(jnp.bfloat16)


def _split(x):
    hi = x.astype(jnp.bfloat16)
    lo = (x - hi.astype(jnp.float32)).astype(jnp.bfloat16)
    return hi, lo


def _body(x_ref, o_ref):
    kh = pl.program_id(2)
    v = x_ref[0]
    s = _col_matrix()
    for khv in range(2):
        @pl.when(kh == khv)
        def _():
            p = _row_matrix(khv)
            ras = []
            for c in range(C_BLK):
                hi, lo = _split(v[c])
                ra = (jnp.dot(p, hi, preferred_element_type=jnp.float32) +
                      jnp.dot(p, lo, preferred_element_type=jnp.float32))
                ras.append(ra)
            ra_all = jnp.stack(ras, axis=0).reshape(C_BLK * 112, 224)
            hi2, lo2 = _split(ra_all)
            rb = (jnp.dot(hi2, s, preferred_element_type=jnp.float32) +
                  jnp.dot(lo2, s, preferred_element_type=jnp.float32))
            rb = rb.reshape(C_BLK, 112, 256)
            o_ref[0, 0, 0] = rb[:, :, :112]
            o_ref[0, 0, 1] = rb[:, :, 128:240]


def kernel(input):
    n, c, h, w = input.shape
    nc = c // C_BLK
    out = pl.pallas_call(
        _body,
        grid=(n, nc, 2),
        in_specs=[pl.BlockSpec((1, C_BLK, h, w),
                               lambda ni, ci, ki: (ni, ci, 0, 0))],
        out_specs=pl.BlockSpec((1, 1, 2, C_BLK, h // 2, w // 2),
                               lambda ni, ci, ki: (ni, ki, 0, ci, 0, 0)),
        out_shape=jax.ShapeDtypeStruct((n, 2, 2, c, h // 2, w // 2),
                                       input.dtype),
    )(input)
    return out.reshape(n, 4 * c, h // 2, w // 2)

# --- scband reference (transcript-rebuilt; emitter-appended) ---
"""Pipeline reference for scband-reorg-27908697490214 (READ-ONLY COPY).

The authoritative reference and input builder live on the scoring server;
editing this copy changes nothing except your own understanding.
"""

import jax, jax.numpy as jnp
import numpy as np

STRIDE = 2

def setup_inputs(seed: int = 0) -> dict:
    key = jax.random.key(seed)
    x = jax.random.normal(key, (4, 384, 224, 224), dtype=jnp.float32)
    return {"input": x}

def _reorg(x, stride):
    n, c, h, w = x.shape
    s = stride
    c_re = c // (s * s)
    h_re = h * s
    w_re = w * s
    # flat reshape, matching torch .reshape
    xr = x.reshape(n, c_re, h_re, w_re)
    # F.unfold(xr, kernel_size=s, stride=s):
    # output shape (n, c_re*s*s, L) with L = (h_re//s)*(w_re//s) = h*w
    Hb = h_re // s
    Wb = w_re // s
    patches = xr.reshape(n, c_re, Hb, s, Wb, s)
    # unfold channel ordering is (channel, kh, kw); L is row-major over patch grid
    patches = jnp.transpose(patches, (0, 1, 3, 5, 2, 4))
    unfolded = patches.reshape(n, c_re * s * s, Hb * Wb)
    # re_index = concat over i of arange(0, c, s*s) + i
    base = jnp.arange(0, c, s * s)
    re_index = jnp.concatenate([base + i for i in range(s * s)])
    unfolded = jnp.take(unfolded, re_index, axis=1)
    return unfolded.reshape(n, c * s * s, h // s, w // s)

def reference(input):
    return _reorg(input, STRIDE)

if __name__ == "__main__":
    import jax
    _d = setup_inputs()
    print(jax.jit(kernel)(*tuple(_d.values())))

</pallas_src>

<mosaic_0001>
module attributes {stable_mosaic.version = 14 : i64} {
  func.func @_body(%arg0: i32, %arg1: i32, %arg2: i32, %arg3: memref<1x8x224x224xf32, #tpu.memory_space<vmem>>, %arg4: memref<1x1x2x8x112x112xf32, #tpu.memory_space<vmem>>) attributes {dimension_semantics = [#tpu.dimension_semantics<arbitrary>, #tpu.dimension_semantics<arbitrary>, #tpu.dimension_semantics<arbitrary>], iteration_bounds = array<i64: 4, 48, 2>, scalar_prefetch = 0 : i64, scratch_operands = 0 : i64, tpu.core_type = #tpu.core_type<tc>, window_params = [{transform_indices = @transform_0, window_bounds = array<i64: 1, 8, 224, 224>}, {transform_indices = @transform_1, window_bounds = array<i64: 1, 1, 2, 8, 112, 112>}]} {
    %get3A = arith.constant 0 : index
    %get3A_0 = arith.constant 0 : index
    %get3A_1 = arith.constant 0 : index
    %get3A_2 = arith.constant 0 : index
    %get3A_3 = vector.load %arg3[%get3A, %get3A_0, %get3A_1, %get3A_2] : memref<1x8x224x224xf32, #tpu.memory_space<vmem>>, vector<1x8x224x224xf32>
    %get3A_4 = vector.shape_cast %get3A_3 : vector<1x8x224x224xf32> to vector<8x224x224xf32>
    %iota3A = tpu.iota {dimensions = array<i32: 0>} : vector<224x256xi32>
    %iota3A_5 = tpu.iota {dimensions = array<i32: 1>} : vector<224x256xi32>
    %jit3A = arith.constant 128 : i32
    %div3A = vector.broadcast %jit3A : i32 to vector<224x256xi32>
    %div3A_6 = arith.divsi %iota3A_5, %div3A : vector<224x256xi32>
    %sign3A = arith.constant 0 : i32
    %sign3A_7 = vector.broadcast %sign3A : i32 to vector<224x256xi32>
    %sign3A_8 = arith.cmpi sgt, %iota3A_5, %sign3A_7 : vector<224x256xi32>
    %sign3A_9 = arith.extui %sign3A_8 : vector<224x256xi1> to vector<224x256xi32>
    %sign3A_10 = arith.constant 0 : i32
    %sign3A_11 = vector.broadcast %sign3A_10 : i32 to vector<224x256xi32>
    %sign3A_12 = arith.cmpi slt, %iota3A_5, %sign3A_11 : vector<224x256xi32>
    %sign3A_13 = arith.extui %sign3A_12 : vector<224x256xi1> to vector<224x256xi32>
    %sign3A_14 = arith.subi %sign3A_9, %sign3A_13 : vector<224x256xi32>
    %sign3A_15 = arith.constant 0 : i32
    %sign3A_16 = arith.cmpi sgt, %jit3A, %sign3A_15 : i32
    %sign3A_17 = arith.extui %sign3A_16 : i1 to i32
    %sign3A_18 = arith.constant 0 : i32
    %sign3A_19 = arith.cmpi slt, %jit3A, %sign3A_18 : i32
    %sign3A_20 = arith.extui %sign3A_19 : i1 to i32
    %sign3A_21 = arith.subi %sign3A_17, %sign3A_20 : i32
    %ne3A = vector.broadcast %sign3A_21 : i32 to vector<224x256xi32>
    %ne3A_22 = arith.cmpi ne, %sign3A_14, %ne3A : vector<224x256xi32>
    %rem3A = vector.broadcast %jit3A : i32 to vector<224x256xi32>
    %rem3A_23 = arith.remsi %iota3A_5, %rem3A : vector<224x256xi32>
    %ne3A_24 = arith.constant 0 : i32
    %ne3A_25 = vector.broadcast %ne3A_24 : i32 to vector<224x256xi32>
    %ne3A_26 = arith.cmpi ne, %rem3A_23, %ne3A_25 : vector<224x256xi32>
    %and3A = arith.andi %ne3A_22, %ne3A_26 : vector<224x256xi1>
    %sub3A = arith.constant 1 : i32
    %sub3A_27 = vector.broadcast %sub3A : i32 to vector<224x256xi32>
    %sub3A_28 = arith.subi %div3A_6, %sub3A_27 : vector<224x256xi32>
    %select_n3A = arith.select %and3A, %sub3A_28, %div3A_6 : vector<224x256xi1>, vector<224x256xi32>
    %jit3A_29 = arith.constant 128 : i32
    %eq3A = arith.constant 0 : i32
    %eq3A_30 = arith.cmpi eq, %jit3A_29, %eq3A : i32
    %jit3A_31 = arith.constant 1 : i32
    %select_n3A_32 = arith.select %eq3A_30, %jit3A_31, %jit3A_29 : i32
    %rem3A_33 = vector.broadcast %select_n3A_32 : i32 to vector<224x256xi32>
    %rem3A_34 = arith.remsi %iota3A_5, %rem3A_33 : vector<224x256xi32>
    %ne3A_35 = arith.constant 0 : i32
    %ne3A_36 = vector.broadcast %ne3A_35 : i32 to vector<224x256xi32>
    %ne3A_37 = arith.cmpi ne, %rem3A_34, %ne3A_36 : vector<224x256xi32>
    %lt3A = arith.constant 0 : i32
    %lt3A_38 = vector.broadcast %lt3A : i32 to vector<224x256xi32>
    %lt3A_39 = arith.cmpi slt, %rem3A_34, %lt3A_38 : vector<224x256xi32>
    %lt3A_40 = arith.constant 0 : i32
    %lt3A_41 = arith.cmpi slt, %select_n3A_32, %lt3A_40 : i32
    %ne3A_42 = vector.broadcast %lt3A_41 : i1 to vector<224x256xi1>
    %ne3A_43 = vector.broadcast %ne3A_42 : vector<224x256xi1> to vector<224x256xi1>
    %ne3A_44 = arith.xori %lt3A_39, %ne3A_43 : vector<224x256xi1>
    %and3A_45 = arith.andi %ne3A_44, %ne3A_37 : vector<224x256xi1>
    %add3A = vector.broadcast %select_n3A_32 : i32 to vector<224x256xi32>
    %add3A_46 = arith.addi %rem3A_34, %add3A : vector<224x256xi32>
    %select_n3A_47 = arith.select %and3A_45, %add3A_46, %rem3A_34 : vector<224x256xi1>, vector<224x256xi32>
    %mul3A = arith.constant 2 : i32
    %mul3A_48 = vector.broadcast %mul3A : i32 to vector<224x256xi32>
    %mul3A_49 = arith.muli %mul3A_48, %select_n3A_47 : vector<224x256xi32>
    %add3A_50 = arith.addi %mul3A_49, %select_n3A : vector<224x256xi32>
    %eq3A_51 = arith.cmpi eq, %iota3A, %add3A_50 : vector<224x256xi32>
    %lt3A_52 = arith.constant 112 : i32
    %lt3A_53 = vector.broadcast %lt3A_52 : i32 to vector<224x256xi32>
    %lt3A_54 = arith.cmpi slt, %select_n3A_47, %lt3A_53 : vector<224x256xi32>
    %and3A_55 = arith.andi %eq3A_51, %lt3A_54 : vector<224x256xi1>
    %convert_element_type3A = arith.extui %and3A_55 : vector<224x256xi1> to vector<224x256xi32>
    %convert_element_type3A_56 = arith.sitofp %convert_element_type3A : vector<224x256xi32> to vector<224x256xf32>
    %convert_element_type3A_57 = arith.truncf %convert_element_type3A_56 : vector<224x256xf32> to vector<224x256xbf16>
    %eq3A_58 = arith.constant 0 : i32
    %eq3A_59 = arith.cmpi eq, %arg2, %eq3A_58 : i32
    %convert_element_type3A_60 = arith.extui %eq3A_59 : i1 to i32
    %cond3A = arith.constant 0 : i32
    %cond3A_61 = arith.cmpi ne, %convert_element_type3A_60, %cond3A : i32
    scf.if %cond3A_61 {
      %iota3A_67 = tpu.iota {dimensions = array<i32: 0>} : vector<112x224xi32>
      %iota3A_68 = tpu.iota {dimensions = array<i32: 1>} : vector<112x224xi32>
      %jit3A_69 = arith.constant 2 : i32
      %div3A_70 = vector.broadcast %jit3A_69 : i32 to vector<112x224xi32>
      %div3A_71 = arith.divsi %iota3A_67, %div3A_70 : vector<112x224xi32>
      %sign3A_72 = arith.constant 0 : i32
      %sign3A_73 = vector.broadcast %sign3A_72 : i32 to vector<112x224xi32>
      %sign3A_74 = arith.cmpi sgt, %iota3A_67, %sign3A_73 : vector<112x224xi32>
      %sign3A_75 = arith.extui %sign3A_74 : vector<112x224xi1> to vector<112x224xi32>
      %sign3A_76 = arith.constant 0 : i32
      %sign3A_77 = vector.broadcast %sign3A_76 : i32 to vector<112x224xi32>
      %sign3A_78 = arith.cmpi slt, %iota3A_67, %sign3A_77 : vector<112x224xi32>
      %sign3A_79 = arith.extui %sign3A_78 : vector<112x224xi1> to vector<112x224xi32>
      %sign3A_80 = arith.subi %sign3A_75, %sign3A_79 : vector<112x224xi32>
      %sign3A_81 = arith.constant 0 : i32
      %sign3A_82 = arith.cmpi sgt, %jit3A_69, %sign3A_81 : i32
      %sign3A_83 = arith.extui %sign3A_82 : i1 to i32
      %sign3A_84 = arith.constant 0 : i32
      %sign3A_85 = arith.cmpi slt, %jit3A_69, %sign3A_84 : i32
      %sign3A_86 = arith.extui %sign3A_85 : i1 to i32
      %sign3A_87 = arith.subi %sign3A_83, %sign3A_86 : i32
      %ne3A_88 = vector.broadcast %sign3A_87 : i32 to vector<112x224xi32>
      %ne3A_89 = arith.cmpi ne, %sign3A_80, %ne3A_88 : vector<112x224xi32>
      %rem3A_90 = vector.broadcast %jit3A_69 : i32 to vector<112x224xi32>
      %rem3A_91 = arith.remsi %iota3A_67, %rem3A_90 : vector<112x224xi32>
      %ne3A_92 = arith.constant 0 : i32
      %ne3A_93 = vector.broadcast %ne3A_92 : i32 to vector<112x224xi32>
      %ne3A_94 = arith.cmpi ne, %rem3A_91, %ne3A_93 : vector<112x224xi32>
      %and3A_95 = arith.andi %ne3A_89, %ne3A_94 : vector<112x224xi1>
      %sub3A_96 = arith.constant 1 : i32
      %sub3A_97 = vector.broadcast %sub3A_96 : i32 to vector<112x224xi32>
      %sub3A_98 = arith.subi %div3A_71, %sub3A_97 : vector<112x224xi32>
      %select_n3A_99 = arith.select %and3A_95, %sub3A_98, %div3A_71 : vector<112x224xi1>, vector<112x224xi32>
      %mul3A_100 = arith.constant 4 : i32
      %mul3A_101 = vector.broadcast %mul3A_100 : i32 to vector<112x224xi32>
      %mul3A_102 = arith.muli %mul3A_101, %select_n3A_99 : vector<112x224xi32>
      %add3A_103 = arith.constant 0 : i32
      %add3A_104 = vector.broadcast %add3A_103 : i32 to vector<112x224xi32>
      %add3A_105 = arith.addi %mul3A_102, %add3A_104 : vector<112x224xi32>
      %jit3A_106 = arith.constant 2 : i32
      %eq3A_107 = arith.constant 0 : i32
      %eq3A_108 = arith.cmpi eq, %jit3A_106, %eq3A_107 : i32
      %jit3A_109 = arith.constant 1 : i32
      %select_n3A_110 = arith.select %eq3A_108, %jit3A_109, %jit3A_106 : i32
      %rem3A_111 = vector.broadcast %select_n3A_110 : i32 to vector<112x224xi32>
      %rem3A_112 = arith.remsi %iota3A_67, %rem3A_111 : vector<112x224xi32>
      %ne3A_113 = arith.constant 0 : i32
      %ne3A_114 = vector.broadcast %ne3A_113 : i32 to vector<112x224xi32>
      %ne3A_115 = arith.cmpi ne, %rem3A_112, %ne3A_114 : vector<112x224xi32>
      %lt3A_116 = arith.constant 0 : i32
      %lt3A_117 = vector.broadcast %lt3A_116 : i32 to vector<112x224xi32>
      %lt3A_118 = arith.cmpi slt, %rem3A_112, %lt3A_117 : vector<112x224xi32>
      %lt3A_119 = arith.constant 0 : i32
      %lt3A_120 = arith.cmpi slt, %select_n3A_110, %lt3A_119 : i32
      %ne3A_121 = vector.broadcast %lt3A_120 : i1 to vector<112x224xi1>
      %ne3A_122 = vector.broadcast %ne3A_121 : vector<112x224xi1> to vector<112x224xi1>
      %ne3A_123 = arith.xori %lt3A_118, %ne3A_122 : vector<112x224xi1>
      %and3A_124 = arith.andi %ne3A_123, %ne3A_115 : vector<112x224xi1>
      %add3A_125 = vector.broadcast %select_n3A_110 : i32 to vector<112x224xi32>
      %add3A_126 = arith.addi %rem3A_112, %add3A_125 : vector<112x224xi32>
      %select_n3A_127 = arith.select %and3A_124, %add3A_126, %rem3A_112 : vector<112x224xi1>, vector<112x224xi32>
      %add3A_128 = arith.addi %add3A_105, %select_n3A_127 : vector<112x224xi32>
      %eq3A_129 = arith.cmpi eq, %iota3A_68, %add3A_128 : vector<112x224xi32>
      %convert_element_type3A_130 = arith.extui %eq3A_129 : vector<112x224xi1> to vector<112x224xi32>
      %convert_element_type3A_131 = arith.sitofp %convert_element_type3A_130 : vector<112x224xi32> to vector<112x224xf32>
      %convert_element_type3A_132 = arith.truncf %convert_element_type3A_131 : vector<112x224xf32> to vector<112x224xbf16>
      %slice3A = vector.extract_strided_slice %get3A_4 {offsets = [0, 0, 0], sizes = [1, 224, 224], strides = [1, 1, 1]} : vector<8x224x224xf32> to vector<1x224x224xf32>
      %squeeze3A = vector.shape_cast %slice3A : vector<1x224x224xf32> to vector<224x224xf32>
      %convert_element_type3A_133 = arith.truncf %squeeze3A : vector<224x224xf32> to vector<224x224xbf16>
      %convert_element_type3A_134 = arith.extf %convert_element_type3A_133 : vector<224x224xbf16> to vector<224x224xf32>
      %sub3A_135 = arith.subf %squeeze3A, %convert_element_type3A_134 : vector<224x224xf32>
      %convert_element_type3A_136 = arith.truncf %sub3A_135 : vector<224x224xf32> to vector<224x224xbf16>
      %dot_general3A = arith.constant dense<0.000000e+00> : vector<112x224xf32>
      %dot_general3A_137 = tpu.matmul %convert_element_type3A_132, %convert_element_type3A_133, %dot_general3A {dimension_numbers = #tpu.dot_dimension_numbers<[1], [0], [0], [1], [0, 0, 1, 1], [], []>, transpose_lhs_hint = false} : vector<112x224xbf16>, vector<224x224xbf16>, vector<112x224xf32> -> vector<112x224xf32>
      %dot_general3A_138 = arith.constant dense<0.000000e+00> : vector<112x224xf32>
      %dot_general3A_139 = tpu.matmul %convert_element_type3A_132, %convert_element_type3A_136, %dot_general3A_138 {dimension_numbers = #tpu.dot_dimension_numbers<[1], [0], [0], [1], [0, 0, 1, 1], [], []>, transpose_lhs_hint = false} : vector<112x224xbf16>, vector<224x224xbf16>, vector<112x224xf32> -> vector<112x224xf32>
      %add3A_140 = arith.addf %dot_general3A_137, %dot_general3A_139 : vector<112x224xf32>
      %slice3A_141 = vector.extract_strided_slice %get3A_4 {offsets = [1, 0, 0], sizes = [1, 224, 224], strides = [1, 1, 1]} : vector<8x224x224xf32> to vector<1x224x224xf32>
      %squeeze3A_142 = vector.shape_cast %slice3A_141 : vector<1x224x224xf32> to vector<224x224xf32>
      %convert_element_type3A_143 = arith.truncf %squeeze3A_142 : vector<224x224xf32> to vector<224x224xbf16>
      %convert_element_type3A_144 = arith.extf %convert_element_type3A_143 : vector<224x224xbf16> to vector<224x224xf32>
      %sub3A_145 = arith.subf %squeeze3A_142, %convert_element_type3A_144 : vector<224x224xf32>
      %convert_element_type3A_146 = arith.truncf %sub3A_145 : vector<224x224xf32> to vector<224x224xbf16>
      %dot_general3A_147 = arith.constant dense<0.000000e+00> : vector<112x224xf32>
      %dot_general3A_148 = tpu.matmul %convert_element_type3A_132, %convert_element_type3A_143, %dot_general3A_147 {dimension_numbers = #tpu.dot_dimension_numbers<[1], [0], [0], [1], [0, 0, 1, 1], [], []>, transpose_lhs_hint = false} : vector<112x224xbf16>, vector<224x224xbf16>, vector<112x224xf32> -> vector<112x224xf32>
      %dot_general3A_149 = arith.constant dense<0.000000e+00> : vector<112x224xf32>
      %dot_general3A_150 = tpu.matmul %convert_element_type3A_132, %convert_element_type3A_146, %dot_general3A_149 {dimension_numbers = #tpu.dot_dimension_numbers<[1], [0], [0], [1], [0, 0, 1, 1], [], []>, transpose_lhs_hint = false} : vector<112x224xbf16>, vector<224x224xbf16>, vector<112x224xf32> -> vector<112x224xf32>
      %add3A_151 = arith.addf %dot_general3A_148, %dot_general3A_150 : vector<112x224xf32>
      %slice3A_152 = vector.extract_strided_slice %get3A_4 {offsets = [2, 0, 0], sizes = [1, 224, 224], strides = [1, 1, 1]} : vector<8x224x224xf32> to vector<1x224x224xf32>
      %squeeze3A_153 = vector.shape_cast %slice3A_152 : vector<1x224x224xf32> to vector<224x224xf32>
      %convert_element_type3A_154 = arith.truncf %squeeze3A_153 : vector<224x224xf32> to vector<224x224xbf16>
      %convert_element_type3A_155 = arith.extf %convert_element_type3A_154 : vector<224x224xbf16> to vector<224x224xf32>
      %sub3A_156 = arith.subf %squeeze3A_153, %convert_element_type3A_155 : vector<224x224xf32>
      %convert_element_type3A_157 = arith.truncf %sub3A_156 : vector<224x224xf32> to vector<224x224xbf16>
      %dot_general3A_158 = arith.constant dense<0.000000e+00> : vector<112x224xf32>
      %dot_general3A_159 = tpu.matmul %convert_element_type3A_132, %convert_element_type3A_154, %dot_general3A_158 {dimension_numbers = #tpu.dot_dimension_numbers<[1], [0], [0], [1], [0, 0, 1, 1], [], []>, transpose_lhs_hint = false} : vector<112x224xbf16>, vector<224x224xbf16>, vector<112x224xf32> -> vector<112x224xf32>
      %dot_general3A_160 = arith.constant dense<0.000000e+00> : vector<112x224xf32>
      %dot_general3A_161 = tpu.matmul %convert_element_type3A_132, %convert_element_type3A_157, %dot_general3A_160 {dimension_numbers = #tpu.dot_dimension_numbers<[1], [0], [0], [1], [0, 0, 1, 1], [], []>, transpose_lhs_hint = false} : vector<112x224xbf16>, vector<224x224xbf16>, vector<112x224xf32> -> vector<112x224xf32>
      %add3A_162 = arith.addf %dot_general3A_159, %dot_general3A_161 : vector<112x224xf32>
      %slice3A_163 = vector.extract_strided_slice %get3A_4 {offsets = [3, 0, 0], sizes = [1, 224, 224], strides = [1, 1, 1]} : vector<8x224x224xf32> to vector<1x224x224xf32>
      %squeeze3A_164 = vector.shape_cast %slice3A_163 : vector<1x224x224xf32> to vector<224x224xf32>
      %convert_element_type3A_165 = arith.truncf %squeeze3A_164 : vector<224x224xf32> to vector<224x224xbf16>
      %convert_element_type3A_166 = arith.extf %convert_element_type3A_165 : vector<224x224xbf16> to vector<224x224xf32>
      %sub3A_167 = arith.subf %squeeze3A_164, %convert_element_type3A_166 : vector<224x224xf32>
      %convert_element_type3A_168 = arith.truncf %sub3A_167 : vector<224x224xf32> to vector<224x224xbf16>
      %dot_general3A_169 = arith.constant dense<0.000000e+00> : vector<112x224xf32>
      %dot_general3A_170 = tpu.matmul %convert_element_type3A_132, %convert_element_type3A_165, %dot_general3A_169 {dimension_numbers = #tpu.dot_dimension_numbers<[1], [0], [0], [1], [0, 0, 1, 1], [], []>, transpose_lhs_hint = false} : vector<112x224xbf16>, vector<224x224xbf16>, vector<112x224xf32> -> vector<112x224xf32>
      %dot_general3A_171 = arith.constant dense<0.000000e+00> : vector<112x224xf32>
      %dot_general3A_172 = tpu.matmul %convert_element_type3A_132, %convert_element_type3A_168, %dot_general3A_171 {dimension_numbers = #tpu.dot_dimension_numbers<[1], [0], [0], [1], [0, 0, 1, 1], [], []>, transpose_lhs_hint = false} : vector<112x224xbf16>, vector<224x224xbf16>, vector<112x224xf32> -> vector<112x224xf32>
      %add3A_173 = arith.addf %dot_general3A_170, %dot_general3A_172 : vector<112x224xf32>
      %slice3A_174 = vector.extract_strided_slice %get3A_4 {offsets = [4, 0, 0], sizes = [1, 224, 224], strides = [1, 1, 1]} : vector<8x224x224xf32> to vector<1x224x224xf32>
      %squeeze3A_175 = vector.shape_cast %slice3A_174 : vector<1x224x224xf32> to vector<224x224xf32>
      %convert_element_type3A_176 = arith.truncf %squeeze3A_175 : vector<224x224xf32> to vector<224x224xbf16>
      %convert_element_type3A_177 = arith.extf %convert_element_type3A_176 : vector<224x224xbf16> to vector<224x224xf32>
      %sub3A_178 = arith.subf %squeeze3A_175, %convert_element_type3A_177 : vector<224x224xf32>
      %convert_element_type3A_179 = arith.truncf %sub3A_178 : vector<224x224xf32> to vector<224x224xbf16>
      %dot_general3A_180 = arith.constant dense<0.000000e+00> : vector<112x224xf32>
      %dot_general3A_181 = tpu.matmul %convert_element_type3A_132, %convert_element_type3A_176, %dot_general3A_180 {dimension_numbers = #tpu.dot_dimension_numbers<[1], [0], [0], [1], [0, 0, 1, 1], [], []>, transpose_lhs_hint = false} : vector<112x224xbf16>, vector<224x224xbf16>, vector<112x224xf32> -> vector<112x224xf32>
      %dot_general3A_182 = arith.constant dense<0.000000e+00> : vector<112x224xf32>
      %dot_general3A_183 = tpu.matmul %convert_element_type3A_132, %convert_element_type3A_179, %dot_general3A_182 {dimension_numbers = #tpu.dot_dimension_numbers<[1], [0], [0], [1], [0, 0, 1, 1], [], []>, transpose_lhs_hint = false} : vector<112x224xbf16>, vector<224x224xbf16>, vector<112x224xf32> -> vector<112x224xf32>
      %add3A_184 = arith.addf %dot_general3A_181, %dot_general3A_183 : vector<112x224xf32>
      %slice3A_185 = vector.extract_strided_slice %get3A_4 {offsets = [5, 0, 0], sizes = [1, 224, 224], strides = [1, 1, 1]} : vector<8x224x224xf32> to vector<1x224x224xf32>
      %squeeze3A_186 = vector.shape_cast %slice3A_185 : vector<1x224x224xf32> to vector<224x224xf32>
      %convert_element_type3A_187 = arith.truncf %squeeze3A_186 : vector<224x224xf32> to vector<224x224xbf16>
      %convert_element_type3A_188 = arith.extf %convert_element_type3A_187 : vector<224x224xbf16> to vector<224x224xf32>
      %sub3A_189 = arith.subf %squeeze3A_186, %convert_element_type3A_188 : vector<224x224xf32>
      %convert_element_type3A_190 = arith.truncf %sub3A_189 : vector<224x224xf32> to vector<224x224xbf16>
      %dot_general3A_191 = arith.constant dense<0.000000e+00> : vector<112x224xf32>
      %dot_general3A_192 = tpu.matmul %convert_element_type3A_132, %convert_element_type3A_187, %dot_general3A_191 {dimension_numbers = #tpu.dot_dimension_numbers<[1], [0], [0], [1], [0, 0, 1, 1], [], []>, transpose_lhs_hint = false} : vector<112x224xbf16>, vector<224x224xbf16>, vector<112x224xf32> -> vector<112x224xf32>
      %dot_general3A_193 = arith.constant dense<0.000000e+00> : vector<112x224xf32>
      %dot_general3A_194 = tpu.matmul %convert_element_type3A_132, %convert_element_type3A_190, %dot_general3A_193 {dimension_numbers = #tpu.dot_dimension_numbers<[1], [0], [0], [1], [0, 0, 1, 1], [], []>, transpose_lhs_hint = false} : vector<112x224xbf16>, vector<224x224xbf16>, vector<112x224xf32> -> vector<112x224xf32>
      %add3A_195 = arith.addf %dot_general3A_192, %dot_general3A_194 : vector<112x224xf32>
      %slice3A_196 = vector.extract_strided_slice %get3A_4 {offsets = [6, 0, 0], sizes = [1, 224, 224], strides = [1, 1, 1]} : vector<8x224x224xf32> to vector<1x224x224xf32>
      %squeeze3A_197 = vector.shape_cast %slice3A_196 : vector<1x224x224xf32> to vector<224x224xf32>
      %convert_element_type3A_198 = arith.truncf %squeeze3A_197 : vector<224x224xf32> to vector<224x224xbf16>
      %convert_element_type3A_199 = arith.extf %convert_element_type3A_198 : vector<224x224xbf16> to vector<224x224xf32>
      %sub3A_200 = arith.subf %squeeze3A_197, %convert_element_type3A_199 : vector<224x224xf32>
      %convert_element_type3A_201 = arith.truncf %sub3A_200 : vector<224x224xf32> to vector<224x224xbf16>
      %dot_general3A_202 = arith.constant dense<0.000000e+00> : vector<112x224xf32>
      %dot_general3A_203 = tpu.matmul %convert_element_type3A_132, %convert_element_type3A_198, %dot_general3A_202 {dimension_numbers = #tpu.dot_dimension_numbers<[1], [0], [0], [1], [0, 0, 1, 1], [], []>, transpose_lhs_hint = false} : vector<112x224xbf16>, vector<224x224xbf16>, vector<112x224xf32> -> vector<112x224xf32>
      %dot_general3A_204 = arith.constant dense<0.000000e+00> : vector<112x224xf32>
      %dot_general3A_205 = tpu.matmul %convert_element_type3A_132, %convert_element_type3A_201, %dot_general3A_204 {dimension_numbers = #tpu.dot_dimension_numbers<[1], [0], [0], [1], [0, 0, 1, 1], [], []>, transpose_lhs_hint = false} : vector<112x224xbf16>, vector<224x224xbf16>, vector<112x224xf32> -> vector<112x224xf32>
      %add3A_206 = arith.addf %dot_general3A_203, %dot_general3A_205 : vector<112x224xf32>
      %slice3A_207 = vector.extract_strided_slice %get3A_4 {offsets = [7, 0, 0], sizes = [1, 224, 224], strides = [1, 1, 1]} : vector<8x224x224xf32> to vector<1x224x224xf32>
      %squeeze3A_208 = vector.shape_cast %slice3A_207 : vector<1x224x224xf32> to vector<224x224xf32>
      %convert_element_type3A_209 = arith.truncf %squeeze3A_208 : vector<224x224xf32> to vector<224x224xbf16>
      %convert_element_type3A_210 = arith.extf %convert_element_type3A_209 : vector<224x224xbf16> to vector<224x224xf32>
      %sub3A_211 = arith.subf %squeeze3A_208, %convert_element_type3A_210 : vector<224x224xf32>
      %convert_element_type3A_212 = arith.truncf %sub3A_211 : vector<224x224xf32> to vector<224x224xbf16>
      %dot_general3A_213 = arith.constant dense<0.000000e+00> : vector<112x224xf32>
      %dot_general3A_214 = tpu.matmul %convert_element_type3A_132, %convert_element_type3A_209, %dot_general3A_213 {dimension_numbers = #tpu.dot_dimension_numbers<[1], [0], [0], [1], [0, 0, 1, 1], [], []>, transpose_lhs_hint = false} : vector<112x224xbf16>, vector<224x224xbf16>, vector<112x224xf32> -> vector<112x224xf32>
      %dot_general3A_215 = arith.constant dense<0.000000e+00> : vector<112x224xf32>
      %dot_general3A_216 = tpu.matmul %convert_element_type3A_132, %convert_element_type3A_212, %dot_general3A_215 {dimension_numbers = #tpu.dot_dimension_numbers<[1], [0], [0], [1], [0, 0, 1, 1], [], []>, transpose_lhs_hint = false} : vector<112x224xbf16>, vector<224x224xbf16>, vector<112x224xf32> -> vector<112x224xf32>
      %add3A_217 = arith.addf %dot_general3A_214, %dot_general3A_216 : vector<112x224xf32>
      %stack3A = vector.shape_cast %add3A_140 : vector<112x224xf32> to vector<1x112x224xf32>
      %stack3A_218 = vector.shape_cast %add3A_151 : vector<112x224xf32> to vector<1x112x224xf32>
      %stack3A_219 = vector.shape_cast %add3A_162 : vector<112x224xf32> to vector<1x112x224xf32>
      %stack3A_220 = vector.shape_cast %add3A_173 : vector<112x224xf32> to vector<1x112x224xf32>
      %stack3A_221 = vector.shape_cast %add3A_184 : vector<112x224xf32> to vector<1x112x224xf32>
      %stack3A_222 = vector.shape_cast %add3A_195 : vector<112x224xf32> to vector<1x112x224xf32>
      %stack3A_223 = vector.shape_cast %add3A_206 : vector<112x224xf32> to vector<1x112x224xf32>
      %stack3A_224 = vector.shape_cast %add3A_217 : vector<112x224xf32> to vector<1x112x224xf32>
      %stack3A_225 = tpu.concatenate %stack3A, %stack3A_218, %stack3A_219, %stack3A_220, %stack3A_221, %stack3A_222, %stack3A_223, %stack3A_224 in 0 : vector<1x112x224xf32>, vector<1x112x224xf32>, vector<1x112x224xf32>, vector<1x112x224xf32>, vector<1x112x224xf32>, vector<1x112x224xf32>, vector<1x112x224xf32>, vector<1x112x224xf32> -> vector<8x112x224xf32>
      %reshape3A = vector.shape_cast %stack3A_225 : vector<8x112x224xf32> to vector<896x224xf32>
      %convert_element_type3A_226 = arith.truncf %reshape3A : vector<896x224xf32> to vector<896x224xbf16>
      %convert_element_type3A_227 = arith.extf %convert_element_type3A_226 : vector<896x224xbf16> to vector<896x224xf32>
      %sub3A_228 = arith.subf %reshape3A, %convert_element_type3A_227 : vector<896x224xf32>
      %convert_element_type3A_229 = arith.truncf %sub3A_228 : vector<896x224xf32> to vector<896x224xbf16>
      %dot_general3A_230 = arith.constant dense<0.000000e+00> : vector<896x256xf32>
      %dot_general3A_231 = tpu.matmul %convert_element_type3A_226, %convert_element_type3A_57, %dot_general3A_230 {dimension_numbers = #tpu.dot_dimension_numbers<[1], [0], [0], [1], [0, 0, 1, 1], [], []>, transpose_lhs_hint = false} : vector<896x224xbf16>, vector<224x256xbf16>, vector<896x256xf32> -> vector<896x256xf32>
      %dot_general3A_232 = arith.constant dense<0.000000e+00> : vector<896x256xf32>
      %dot_general3A_233 = tpu.matmul %convert_element_type3A_229, %convert_element_type3A_57, %dot_general3A_232 {dimension_numbers = #tpu.dot_dimension_numbers<[1], [0], [0], [1], [0, 0, 1, 1], [], []>, transpose_lhs_hint = false} : vector<896x224xbf16>, vector<224x256xbf16>, vector<896x256xf32> -> vector<896x256xf32>
      %add3A_234 = arith.addf %dot_general3A_231, %dot_general3A_233 : vector<896x256xf32>
      %reshape3A_235 = vector.shape_cast %add3A_234 : vector<896x256xf32> to vector<8x112x256xf32>
      %slice3A_236 = vector.extract_strided_slice %reshape3A_235 {offsets = [0, 0, 0], sizes = [8, 112, 112], strides = [1, 1, 1]} : vector<8x112x256xf32> to vector<8x112x112xf32>
      %swap3A = arith.constant 0 : index
      %swap3A_237 = arith.constant 0 : index
      %swap3A_238 = arith.constant 0 : index
      %swap3A_239 = arith.constant 0 : index
      %swap3A_240 = arith.constant 0 : index
      %swap3A_241 = arith.constant 0 : index
      %swap3A_242 = vector.load %arg4[%swap3A, %swap3A_237, %swap3A_238, %swap3A_239, %swap3A_240, %swap3A_241] : memref<1x1x2x8x112x112xf32, #tpu.memory_space<vmem>>, vector<1x1x1x8x112x112xf32>
      %swap3A_243 = vector.shape_cast %swap3A_242 : vector<1x1x1x8x112x112xf32> to vector<8x112x112xf32>
      %swap3A_244 = vector.shape_cast %slice3A_236 : vector<8x112x112xf32> to vector<1x1x1x8x112x112xf32>
      tpu.vector_store %arg4[%swap3A, %swap3A_237, %swap3A_238, %swap3A_239, %swap3A_240, %swap3A_241], %swap3A_244 {strides = array<i32>} : memref<1x1x2x8x112x112xf32, #tpu.memory_space<vmem>>, vector<1x1x1x8x112x112xf32>,
      %slice3A_245 = vector.extract_strided_slice %reshape3A_235 {offsets = [0, 0, 128], sizes = [8, 112, 112], strides = [1, 1, 1]} : vector<8x112x256xf32> to vector<8x112x112xf32>
      %swap3A_246 = arith.constant 0 : index
      %swap3A_247 = arith.constant 0 : index
      %swap3A_248 = arith.constant 1 : index
      %swap3A_249 = arith.constant 0 : index
      %swap3A_250 = arith.constant 0 : index
      %swap3A_251 = arith.constant 0 : index
      %swap3A_252 = vector.load %arg4[%swap3A_246, %swap3A_247, %swap3A_248, %swap3A_249, %swap3A_250, %swap3A_251] : memref<1x1x2x8x112x112xf32, #tpu.memory_space<vmem>>, vector<1x1x1x8x112x112xf32>
      %swap3A_253 = vector.shape_cast %swap3A_252 : vector<1x1x1x8x112x112xf32> to vector<8x112x112xf32>
      %swap3A_254 = vector.shape_cast %slice3A_245 : vector<8x112x112xf32> to vector<1x1x1x8x112x112xf32>
      tpu.vector_store %arg4[%swap3A_246, %swap3A_247, %swap3A_248, %swap3A_249, %swap3A_250, %swap3A_251], %swap3A_254 {strides = array<i32>} : memref<1x1x2x8x112x112xf32, #tpu.memory_space<vmem>>, vector<1x1x1x8x112x112xf32>,
    } else {
    }
    %eq3A_62 = arith.constant 1 : i32
    %eq3A_63 = arith.cmpi eq, %arg2, %eq3A_62 : i32
    %convert_element_type3A_64 = arith.extui %eq3A_63 : i1 to i32
    %cond3A_65 = arith.constant 0 : i32
    %cond3A_66 = arith.cmpi ne, %convert_element_type3A_64, %cond3A_65 : i32
    scf.if %cond3A_66 {
      %iota3A_67 = tpu.iota {dimensions = array<i32: 0>} : vector<112x224xi32>
      %iota3A_68 = tpu.iota {dimensions = array<i32: 1>} : vector<112x224xi32>
      %jit3A_69 = arith.constant 2 : i32
      %div3A_70 = vector.broadcast %jit3A_69 : i32 to vector<112x224xi32>
      %div3A_71 = arith.divsi %iota3A_67, %div3A_70 : vector<112x224xi32>
      %sign3A_72 = arith.constant 0 : i32
      %sign3A_73 = vector.broadcast %sign3A_72 : i32 to vector<112x224xi32>
      %sign3A_74 = arith.cmpi sgt, %iota3A_67, %sign3A_73 : vector<112x224xi32>
      %sign3A_75 = arith.extui %sign3A_74 : vector<112x224xi1> to vector<112x224xi32>
      %sign3A_76 = arith.constant 0 : i32
      %sign3A_77 = vector.broadcast %sign3A_76 : i32 to vector<112x224xi32>
      %sign3A_78 = arith.cmpi slt, %iota3A_67, %sign3A_77 : vector<112x224xi32>
      %sign3A_79 = arith.extui %sign3A_78 : vector<112x224xi1> to vector<112x224xi32>
      %sign3A_80 = arith.subi %sign3A_75, %sign3A_79 : vector<112x224xi32>
      %sign3A_81 = arith.constant 0 : i32
      %sign3A_82 = arith.cmpi sgt, %jit3A_69, %sign3A_81 : i32
      %sign3A_83 = arith.extui %sign3A_82 : i1 to i32
      %sign3A_84 = arith.constant 0 : i32
      %sign3A_85 = arith.cmpi slt, %jit3A_69, %sign3A_84 : i32
      %sign3A_86 = arith.extui %sign3A_85 : i1 to i32
      %sign3A_87 = arith.subi %sign3A_83, %sign3A_86 : i32
      %ne3A_88 = vector.broadcast %sign3A_87 : i32 to vector<112x224xi32>
      %ne3A_89 = arith.cmpi ne, %sign3A_80, %ne3A_88 : vector<112x224xi32>
      %rem3A_90 = vector.broadcast %jit3A_69 : i32 to vector<112x224xi32>
      %rem3A_91 = arith.remsi %iota3A_67, %rem3A_90 : vector<112x224xi32>
      %ne3A_92 = arith.constant 0 : i32
      %ne3A_93 = vector.broadcast %ne3A_92 : i32 to vector<112x224xi32>
      %ne3A_94 = arith.cmpi ne, %rem3A_91, %ne3A_93 : vector<112x224xi32>
      %and3A_95 = arith.andi %ne3A_89, %ne3A_94 : vector<112x224xi1>
      %sub3A_96 = arith.constant 1 : i32
      %sub3A_97 = vector.broadcast %sub3A_96 : i32 to vector<112x224xi32>
      %sub3A_98 = arith.subi %div3A_71, %sub3A_97 : vector<112x224xi32>
      %select_n3A_99 = arith.select %and3A_95, %sub3A_98, %div3A_71 : vector<112x224xi1>, vector<112x224xi32>
      %mul3A_100 = arith.constant 4 : i32
      %mul3A_101 = vector.broadcast %mul3A_100 : i32 to vector<112x224xi32>
      %mul3A_102 = arith.muli %mul3A_101, %select_n3A_99 : vector<112x224xi32>
      %add3A_103 = arith.constant 2 : i32
      %add3A_104 = vector.broadcast %add3A_103 : i32 to vector<112x224xi32>
      %add3A_105 = arith.addi %mul3A_102, %add3A_104 : vector<112x224xi32>
      %jit3A_106 = arith.constant 2 : i32
      %eq3A_107 = arith.constant 0 : i32
      %eq3A_108 = arith.cmpi eq, %jit3A_106, %eq3A_107 : i32
      %jit3A_109 = arith.constant 1 : i32
      %select_n3A_110 = arith.select %eq3A_108, %jit3A_109, %jit3A_106 : i32
      %rem3A_111 = vector.broadcast %select_n3A_110 : i32 to vector<112x224xi32>
      %rem3A_112 = arith.remsi %iota3A_67, %rem3A_111 : vector<112x224xi32>
      %ne3A_113 = arith.constant 0 : i32
      %ne3A_114 = vector.broadcast %ne3A_113 : i32 to vector<112x224xi32>
      %ne3A_115 = arith.cmpi ne, %rem3A_112, %ne3A_114 : vector<112x224xi32>
      %lt3A_116 = arith.constant 0 : i32
      %lt3A_117 = vector.broadcast %lt3A_116 : i32 to vector<112x224xi32>
      %lt3A_118 = arith.cmpi slt, %rem3A_112, %lt3A_117 : vector<112x224xi32>
      %lt3A_119 = arith.constant 0 : i32
      %lt3A_120 = arith.cmpi slt, %select_n3A_110, %lt3A_119 : i32
      %ne3A_121 = vector.broadcast %lt3A_120 : i1 to vector<112x224xi1>
      %ne3A_122 = vector.broadcast %ne3A_121 : vector<112x224xi1> to vector<112x224xi1>
      %ne3A_123 = arith.xori %lt3A_118, %ne3A_122 : vector<112x224xi1>
      %and3A_124 = arith.andi %ne3A_123, %ne3A_115 : vector<112x224xi1>
      %add3A_125 = vector.broadcast %select_n3A_110 : i32 to vector<112x224xi32>
      %add3A_126 = arith.addi %rem3A_112, %add3A_125 : vector<112x224xi32>
      %select_n3A_127 = arith.select %and3A_124, %add3A_126, %rem3A_112 : vector<112x224xi1>, vector<112x224xi32>
      %add3A_128 = arith.addi %add3A_105, %select_n3A_127 : vector<112x224xi32>
      %eq3A_129 = arith.cmpi eq, %iota3A_68, %add3A_128 : vector<112x224xi32>
      %convert_element_type3A_130 = arith.extui %eq3A_129 : vector<112x224xi1> to vector<112x224xi32>
      %convert_element_type3A_131 = arith.sitofp %convert_element_type3A_130 : vector<112x224xi32> to vector<112x224xf32>
      %convert_element_type3A_132 = arith.truncf %convert_element_type3A_131 : vector<112x224xf32> to vector<112x224xbf16>
      %slice3A = vector.extract_strided_slice %get3A_4 {offsets = [0, 0, 0], sizes = [1, 224, 224], strides = [1, 1, 1]} : vector<8x224x224xf32> to vector<1x224x224xf32>
      %squeeze3A = vector.shape_cast %slice3A : vector<1x224x224xf32> to vector<224x224xf32>
      %convert_element_type3A_133 = arith.truncf %squeeze3A : vector<224x224xf32> to vector<224x224xbf16>
      %convert_element_type3A_134 = arith.extf %convert_element_type3A_133 : vector<224x224xbf16> to vector<224x224xf32>
      %sub3A_135 = arith.subf %squeeze3A, %convert_element_type3A_134 : vector<224x224xf32>
      %convert_element_type3A_136 = arith.truncf %sub3A_135 : vector<224x224xf32> to vector<224x224xbf16>
      %dot_general3A = arith.constant dense<0.000000e+00> : vector<112x224xf32>
      %dot_general3A_137 = tpu.matmul %convert_element_type3A_132, %convert_element_type3A_133, %dot_general3A {dimension_numbers = #tpu.dot_dimension_numbers<[1], [0], [0], [1], [0, 0, 1, 1], [], []>, transpose_lhs_hint = false} : vector<112x224xbf16>, vector<224x224xbf16>, vector<112x224xf32> -> vector<112x224xf32>
      %dot_general3A_138 = arith.constant dense<0.000000e+00> : vector<112x224xf32>
      %dot_general3A_139 = tpu.matmul %convert_element_type3A_132, %convert_element_type3A_136, %dot_general3A_138 {dimension_numbers = #tpu.dot_dimension_numbers<[1], [0], [0], [1], [0, 0, 1, 1], [], []>, transpose_lhs_hint = false} : vector<112x224xbf16>, vector<224x224xbf16>, vector<112x224xf32> -> vector<112x224xf32>
      %add3A_140 = arith.addf %dot_general3A_137, %dot_general3A_139 : vector<112x224xf32>
      %slice3A_141 = vector.extract_strided_slice %get3A_4 {offsets = [1, 0, 0], sizes = [1, 224, 224], strides = [1, 1, 1]} : vector<8x224x224xf32> to vector<1x224x224xf32>
      %squeeze3A_142 = vector.shape_cast %slice3A_141 : vector<1x224x224xf32> to vector<224x224xf32>
      %convert_element_type3A_143 = arith.truncf %squeeze3A_142 : vector<224x224xf32> to vector<224x224xbf16>
      %convert_element_type3A_144 = arith.extf %convert_element_type3A_143 : vector<224x224xbf16> to vector<224x224xf32>
      %sub3A_145 = arith.subf %squeeze3A_142, %convert_element_type3A_144 : vector<224x224xf32>
      %convert_element_type3A_146 = arith.truncf %sub3A_145 : vector<224x224xf32> to vector<224x224xbf16>
      %dot_general3A_147 = arith.constant dense<0.000000e+00> : vector<112x224xf32>
      %dot_general3A_148 = tpu.matmul %convert_element_type3A_132, %convert_element_type3A_143, %dot_general3A_147 {dimension_numbers = #tpu.dot_dimension_numbers<[1], [0], [0], [1], [0, 0, 1, 1], [], []>, transpose_lhs_hint = false} : vector<112x224xbf16>, vector<224x224xbf16>, vector<112x224xf32> -> vector<112x224xf32>
      %dot_general3A_149 = arith.constant dense<0.000000e+00> : vector<112x224xf32>
      %dot_general3A_150 = tpu.matmul %convert_element_type3A_132, %convert_element_type3A_146, %dot_general3A_149 {dimension_numbers = #tpu.dot_dimension_numbers<[1], [0], [0], [1], [0, 0, 1, 1], [], []>, transpose_lhs_hint = false} : vector<112x224xbf16>, vector<224x224xbf16>, vector<112x224xf32> -> vector<112x224xf32>
      %add3A_151 = arith.addf %dot_general3A_148, %dot_general3A_150 : vector<112x224xf32>
      %slice3A_152 = vector.extract_strided_slice %get3A_4 {offsets = [2, 0, 0], sizes = [1, 224, 224], strides = [1, 1, 1]} : vector<8x224x224xf32> to vector<1x224x224xf32>
      %squeeze3A_153 = vector.shape_cast %slice3A_152 : vector<1x224x224xf32> to vector<224x224xf32>
      %convert_element_type3A_154 = arith.truncf %squeeze3A_153 : vector<224x224xf32> to vector<224x224xbf16>
      %convert_element_type3A_155 = arith.extf %convert_element_type3A_154 : vector<224x224xbf16> to vector<224x224xf32>
      %sub3A_156 = arith.subf %squeeze3A_153, %convert_element_type3A_155 : vector<224x224xf32>
      %convert_element_type3A_157 = arith.truncf %sub3A_156 : vector<224x224xf32> to vector<224x224xbf16>
      %dot_general3A_158 = arith.constant dense<0.000000e+00> : vector<112x224xf32>
      %dot_general3A_159 = tpu.matmul %convert_element_type3A_132, %convert_element_type3A_154, %dot_general3A_158 {dimension_numbers = #tpu.dot_dimension_numbers<[1], [0], [0], [1], [0, 0, 1, 1], [], []>, transpose_lhs_hint = false} : vector<112x224xbf16>, vector<224x224xbf16>, vector<112x224xf32> -> vector<112x224xf32>
      %dot_general3A_160 = arith.constant dense<0.000000e+00> : vector<112x224xf32>
      %dot_general3A_161 = tpu.matmul %convert_element_type3A_132, %convert_element_type3A_157, %dot_general3A_160 {dimension_numbers = #tpu.dot_dimension_numbers<[1], [0], [0], [1], [0, 0, 1, 1], [], []>, transpose_lhs_hint = false} : vector<112x224xbf16>, vector<224x224xbf16>, vector<112x224xf32> -> vector<112x224xf32>
      %add3A_162 = arith.addf %dot_general3A_159, %dot_general3A_161 : vector<112x224xf32>
      %slice3A_163 = vector.extract_strided_slice %get3A_4 {offsets = [3, 0, 0], sizes = [1, 224, 224], strides = [1, 1, 1]} : vector<8x224x224xf32> to vector<1x224x224xf32>
      %squeeze3A_164 = vector.shape_cast %slice3A_163 : vector<1x224x224xf32> to vector<224x224xf32>
      %convert_element_type3A_165 = arith.truncf %squeeze3A_164 : vector<224x224xf32> to vector<224x224xbf16>
      %convert_element_type3A_166 = arith.extf %convert_element_type3A_165 : vector<224x224xbf16> to vector<224x224xf32>
      %sub3A_167 = arith.subf %squeeze3A_164, %convert_element_type3A_166 : vector<224x224xf32>
      %convert_element_type3A_168 = arith.truncf %sub3A_167 : vector<224x224xf32> to vector<224x224xbf16>
      %dot_general3A_169 = arith.constant dense<0.000000e+00> : vector<112x224xf32>
      %dot_general3A_170 = tpu.matmul %convert_element_type3A_132, %convert_element_type3A_165, %dot_general3A_169 {dimension_numbers = #tpu.dot_dimension_numbers<[1], [0], [0], [1], [0, 0, 1, 1], [], []>, transpose_lhs_hint = false} : vector<112x224xbf16>, vector<224x224xbf16>, vector<112x224xf32> -> vector<112x224xf32>
      %dot_general3A_171 = arith.constant dense<0.000000e+00> : vector<112x224xf32>
      %dot_general3A_172 = tpu.matmul %convert_element_type3A_132, %convert_element_type3A_168, %dot_general3A_171 {dimension_numbers = #tpu.dot_dimension_numbers<[1], [0], [0], [1], [0, 0, 1, 1], [], []>, transpose_lhs_hint = false} : vector<112x224xbf16>, vector<224x224xbf16>, vector<112x224xf32> -> vector<112x224xf32>
      %add3A_173 = arith.addf %dot_general3A_170, %dot_general3A_172 : vector<112x224xf32>
      %slice3A_174 = vector.extract_strided_slice %get3A_4 {offsets = [4, 0, 0], sizes = [1, 224, 224], strides = [1, 1, 1]} : vector<8x224x224xf32> to vector<1x224x224xf32>
      %squeeze3A_175 = vector.shape_cast %slice3A_174 : vector<1x224x224xf32> to vector<224x224xf32>
      %convert_element_type3A_176 = arith.truncf %squeeze3A_175 : vector<224x224xf32> to vector<224x224xbf16>
      %convert_element_type3A_177 = arith.extf %convert_element_type3A_176 : vector<224x224xbf16> to vector<224x224xf32>
      %sub3A_178 = arith.subf %squeeze3A_175, %convert_element_type3A_177 : vector<224x224xf32>
      %convert_element_type3A_179 = arith.truncf %sub3A_178 : vector<224x224xf32> to vector<224x224xbf16>
      %dot_general3A_180 = arith.constant dense<0.000000e+00> : vector<112x224xf32>
      %dot_general3A_181 = tpu.matmul %convert_element_type3A_132, %convert_element_type3A_176, %dot_general3A_180 {dimension_numbers = #tpu.dot_dimension_numbers<[1], [0], [0], [1], [0, 0, 1, 1], [], []>, transpose_lhs_hint = false} : vector<112x224xbf16>, vector<224x224xbf16>, vector<112x224xf32> -> vector<112x224xf32>
      %dot_general3A_182 = arith.constant dense<0.000000e+00> : vector<112x224xf32>
      %dot_general3A_183 = tpu.matmul %convert_element_type3A_132, %convert_element_type3A_179, %dot_general3A_182 {dimension_numbers = #tpu.dot_dimension_numbers<[1], [0], [0], [1], [0, 0, 1, 1], [], []>, transpose_lhs_hint = false} : vector<112x224xbf16>, vector<224x224xbf16>, vector<112x224xf32> -> vector<112x224xf32>
      %add3A_184 = arith.addf %dot_general3A_181, %dot_general3A_183 : vector<112x224xf32>
      %slice3A_185 = vector.extract_strided_slice %get3A_4 {offsets = [5, 0, 0], sizes = [1, 224, 224], strides = [1, 1, 1]} : vector<8x224x224xf32> to vector<1x224x224xf32>
      %squeeze3A_186 = vector.shape_cast %slice3A_185 : vector<1x224x224xf32> to vector<224x224xf32>
      %convert_element_type3A_187 = arith.truncf %squeeze3A_186 : vector<224x224xf32> to vector<224x224xbf16>
      %convert_element_type3A_188 = arith.extf %convert_element_type3A_187 : vector<224x224xbf16> to vector<224x224xf32>
      %sub3A_189 = arith.subf %squeeze3A_186, %convert_element_type3A_188 : vector<224x224xf32>
      %convert_element_type3A_190 = arith.truncf %sub3A_189 : vector<224x224xf32> to vector<224x224xbf16>
      %dot_general3A_191 = arith.constant dense<0.000000e+00> : vector<112x224xf32>
      %dot_general3A_192 = tpu.matmul %convert_element_type3A_132, %convert_element_type3A_187, %dot_general3A_191 {dimension_numbers = #tpu.dot_dimension_numbers<[1], [0], [0], [1], [0, 0, 1, 1], [], []>, transpose_lhs_hint = false} : vector<112x224xbf16>, vector<224x224xbf16>, vector<112x224xf32> -> vector<112x224xf32>
      %dot_general3A_193 = arith.constant dense<0.000000e+00> : vector<112x224xf32>
      %dot_general3A_194 = tpu.matmul %convert_element_type3A_132, %convert_element_type3A_190, %dot_general3A_193 {dimension_numbers = #tpu.dot_dimension_numbers<[1], [0], [0], [1], [0, 0, 1, 1], [], []>, transpose_lhs_hint = false} : vector<112x224xbf16>, vector<224x224xbf16>, vector<112x224xf32> -> vector<112x224xf32>
      %add3A_195 = arith.addf %dot_general3A_192, %dot_general3A_194 : vector<112x224xf32>
      %slice3A_196 = vector.extract_strided_slice %get3A_4 {offsets = [6, 0, 0], sizes = [1, 224, 224], strides = [1, 1, 1]} : vector<8x224x224xf32> to vector<1x224x224xf32>
      %squeeze3A_197 = vector.shape_cast %slice3A_196 : vector<1x224x224xf32> to vector<224x224xf32>
      %convert_element_type3A_198 = arith.truncf %squeeze3A_197 : vector<224x224xf32> to vector<224x224xbf16>
      %convert_element_type3A_199 = arith.extf %convert_element_type3A_198 : vector<224x224xbf16> to vector<224x224xf32>
      %sub3A_200 = arith.subf %squeeze3A_197, %convert_element_type3A_199 : vector<224x224xf32>
      %convert_element_type3A_201 = arith.truncf %sub3A_200 : vector<224x224xf32> to vector<224x224xbf16>
      %dot_general3A_202 = arith.constant dense<0.000000e+00> : vector<112x224xf32>
      %dot_general3A_203 = tpu.matmul %convert_element_type3A_132, %convert_element_type3A_198, %dot_general3A_202 {dimension_numbers = #tpu.dot_dimension_numbers<[1], [0], [0], [1], [0, 0, 1, 1], [], []>, transpose_lhs_hint = false} : vector<112x224xbf16>, vector<224x224xbf16>, vector<112x224xf32> -> vector<112x224xf32>
      %dot_general3A_204 = arith.constant dense<0.000000e+00> : vector<112x224xf32>
      %dot_general3A_205 = tpu.matmul %convert_element_type3A_132, %convert_element_type3A_201, %dot_general3A_204 {dimension_numbers = #tpu.dot_dimension_numbers<[1], [0], [0], [1], [0, 0, 1, 1], [], []>, transpose_lhs_hint = false} : vector<112x224xbf16>, vector<224x224xbf16>, vector<112x224xf32> -> vector<112x224xf32>
      %add3A_206 = arith.addf %dot_general3A_203, %dot_general3A_205 : vector<112x224xf32>
      %slice3A_207 = vector.extract_strided_slice %get3A_4 {offsets = [7, 0, 0], sizes = [1, 224, 224], strides = [1, 1, 1]} : vector<8x224x224xf32> to vector<1x224x224xf32>
      %squeeze3A_208 = vector.shape_cast %slice3A_207 : vector<1x224x224xf32> to vector<224x224xf32>
      %convert_element_type3A_209 = arith.truncf %squeeze3A_208 : vector<224x224xf32> to vector<224x224xbf16>
      %convert_element_type3A_210 = arith.extf %convert_element_type3A_209 : vector<224x224xbf16> to vector<224x224xf32>
      %sub3A_211 = arith.subf %squeeze3A_208, %convert_element_type3A_210 : vector<224x224xf32>
      %convert_element_type3A_212 = arith.truncf %sub3A_211 : vector<224x224xf32> to vector<224x224xbf16>
      %dot_general3A_213 = arith.constant dense<0.000000e+00> : vector<112x224xf32>
      %dot_general3A_214 = tpu.matmul %convert_element_type3A_132, %convert_element_type3A_209, %dot_general3A_213 {dimension_numbers = #tpu.dot_dimension_numbers<[1], [0], [0], [1], [0, 0, 1, 1], [], []>, transpose_lhs_hint = false} : vector<112x224xbf16>, vector<224x224xbf16>, vector<112x224xf32> -> vector<112x224xf32>
      %dot_general3A_215 = arith.constant dense<0.000000e+00> : vector<112x224xf32>
      %dot_general3A_216 = tpu.matmul %convert_element_type3A_132, %convert_element_type3A_212, %dot_general3A_215 {dimension_numbers = #tpu.dot_dimension_numbers<[1], [0], [0], [1], [0, 0, 1, 1], [], []>, transpose_lhs_hint = false} : vector<112x224xbf16>, vector<224x224xbf16>, vector<112x224xf32> -> vector<112x224xf32>
      %add3A_217 = arith.addf %dot_general3A_214, %dot_general3A_216 : vector<112x224xf32>
      %stack3A = vector.shape_cast %add3A_140 : vector<112x224xf32> to vector<1x112x224xf32>
      %stack3A_218 = vector.shape_cast %add3A_151 : vector<112x224xf32> to vector<1x112x224xf32>
      %stack3A_219 = vector.shape_cast %add3A_162 : vector<112x224xf32> to vector<1x112x224xf32>
      %stack3A_220 = vector.shape_cast %add3A_173 : vector<112x224xf32> to vector<1x112x224xf32>
      %stack3A_221 = vector.shape_cast %add3A_184 : vector<112x224xf32> to vector<1x112x224xf32>
      %stack3A_222 = vector.shape_cast %add3A_195 : vector<112x224xf32> to vector<1x112x224xf32>
      %stack3A_223 = vector.shape_cast %add3A_206 : vector<112x224xf32> to vector<1x112x224xf32>
      %stack3A_224 = vector.shape_cast %add3A_217 : vector<112x224xf32> to vector<1x112x224xf32>
      %stack3A_225 = tpu.concatenate %stack3A, %stack3A_218, %stack3A_219, %stack3A_220, %stack3A_221, %stack3A_222, %stack3A_223, %stack3A_224 in 0 : vector<1x112x224xf32>, vector<1x112x224xf32>, vector<1x112x224xf32>, vector<1x112x224xf32>, vector<1x112x224xf32>, vector<1x112x224xf32>, vector<1x112x224xf32>, vector<1x112x224xf32> -> vector<8x112x224xf32>
      %reshape3A = vector.shape_cast %stack3A_225 : vector<8x112x224xf32> to vector<896x224xf32>
      %convert_element_type3A_226 = arith.truncf %reshape3A : vector<896x224xf32> to vector<896x224xbf16>
      %convert_element_type3A_227 = arith.extf %convert_element_type3A_226 : vector<896x224xbf16> to vector<896x224xf32>
      %sub3A_228 = arith.subf %reshape3A, %convert_element_type3A_227 : vector<896x224xf32>
      %convert_element_type3A_229 = arith.truncf %sub3A_228 : vector<896x224xf32> to vector<896x224xbf16>
      %dot_general3A_230 = arith.constant dense<0.000000e+00> : vector<896x256xf32>
      %dot_general3A_231 = tpu.matmul %convert_element_type3A_226, %convert_element_type3A_57, %dot_general3A_230 {dimension_numbers = #tpu.dot_dimension_numbers<[1], [0], [0], [1], [0, 0, 1, 1], [], []>, transpose_lhs_hint = false} : vector<896x224xbf16>, vector<224x256xbf16>, vector<896x256xf32> -> vector<896x256xf32>
      %dot_general3A_232 = arith.constant dense<0.000000e+00> : vector<896x256xf32>
      %dot_general3A_233 = tpu.matmul %convert_element_type3A_229, %convert_element_type3A_57, %dot_general3A_232 {dimension_numbers = #tpu.dot_dimension_numbers<[1], [0], [0], [1], [0, 0, 1, 1], [], []>, transpose_lhs_hint = false} : vector<896x224xbf16>, vector<224x256xbf16>, vector<896x256xf32> -> vector<896x256xf32>
      %add3A_234 = arith.addf %dot_general3A_231, %dot_general3A_233 : vector<896x256xf32>
      %reshape3A_235 = vector.shape_cast %add3A_234 : vector<896x256xf32> to vector<8x112x256xf32>
      %slice3A_236 = vector.extract_strided_slice %reshape3A_235 {offsets = [0, 0, 0], sizes = [8, 112, 112], strides = [1, 1, 1]} : vector<8x112x256xf32> to vector<8x112x112xf32>
      %swap3A = arith.constant 0 : index
      %swap3A_237 = arith.constant 0 : index
      %swap3A_238 = arith.constant 0 : index
      %swap3A_239 = arith.constant 0 : index
      %swap3A_240 = arith.constant 0 : index
      %swap3A_241 = arith.constant 0 : index
      %swap3A_242 = vector.load %arg4[%swap3A, %swap3A_237, %swap3A_238, %swap3A_239, %swap3A_240, %swap3A_241] : memref<1x1x2x8x112x112xf32, #tpu.memory_space<vmem>>, vector<1x1x1x8x112x112xf32>
      %swap3A_243 = vector.shape_cast %swap3A_242 : vector<1x1x1x8x112x112xf32> to vector<8x112x112xf32>
      %swap3A_244 = vector.shape_cast %slice3A_236 : vector<8x112x112xf32> to vector<1x1x1x8x112x112xf32>
      tpu.vector_store %arg4[%swap3A, %swap3A_237, %swap3A_238, %swap3A_239, %swap3A_240, %swap3A_241], %swap3A_244 {strides = array<i32>} : memref<1x1x2x8x112x112xf32, #tpu.memory_space<vmem>>, vector<1x1x1x8x112x112xf32>,
      %slice3A_245 = vector.extract_strided_slice %reshape3A_235 {offsets = [0, 0, 128], sizes = [8, 112, 112], strides = [1, 1, 1]} : vector<8x112x256xf32> to vector<8x112x112xf32>
      %swap3A_246 = arith.constant 0 : index
      %swap3A_247 = arith.constant 0 : index
      %swap3A_248 = arith.constant 1 : index
      %swap3A_249 = arith.constant 0 : index
      %swap3A_250 = arith.constant 0 : index
      %swap3A_251 = arith.constant 0 : index
      %swap3A_252 = vector.load %arg4[%swap3A_246, %swap3A_247, %swap3A_248, %swap3A_249, %swap3A_250, %swap3A_251] : memref<1x1x2x8x112x112xf32, #tpu.memory_space<vmem>>, vector<1x1x1x8x112x112xf32>
      %swap3A_253 = vector.shape_cast %swap3A_252 : vector<1x1x1x8x112x112xf32> to vector<8x112x112xf32>
      %swap3A_254 = vector.shape_cast %slice3A_245 : vector<8x112x112xf32> to vector<1x1x1x8x112x112xf32>
      tpu.vector_store %arg4[%swap3A_246, %swap3A_247, %swap3A_248, %swap3A_249, %swap3A_250, %swap3A_251], %swap3A_254 {strides = array<i32>} : memref<1x1x2x8x112x112xf32, #tpu.memory_space<vmem>>, vector<1x1x1x8x112x112xf32>,
    } else {
    }
    return
  }
  func.func @transform_0(%arg0: i32, %arg1: i32, %arg2: i32) -> (i32, i32, i32, i32) {
    %c0_i32 = arith.constant 0 : i32
    %c0_i32_0 = arith.constant 0 : i32
    %c0_i32_1 = arith.constant 0 : i32
    return %arg0, %arg1, %c0_i32, %c0_i32_0 : i32, i32, i32, i32
  }
  func.func @transform_1(%arg0: i32, %arg1: i32, %arg2: i32) -> (i32, i32, i32, i32, i32, i32) {
    %c0_i32 = arith.constant 0 : i32
    %c0_i32_0 = arith.constant 0 : i32
    %c0_i32_1 = arith.constant 0 : i32
    %c0_i32_2 = arith.constant 0 : i32
    return %arg0, %arg2, %c0_i32, %arg1, %c0_i32_0, %c0_i32_1 : i32, i32, i32, i32, i32, i32
  }
}

</mosaic_0001>

<sc_bundles>
// kernel: sparse-core-data-format-call.cloned.1.call-start
scs
called_computation_lowered:
.L_overlay_start_0:
0x0: {  	s2 =	sld [smem:$0x3FD9]  }
0x1: {  	s3 =	sld [smem:$0x3FFE];
	_ =	sdelay $0x1  }
0x2: {  	s1 =	srdreg.scid  }
0x3: {  	s0 =	sand.u32 $0x1, s1  }
0x4: {  	s18 =	sshll.u32 s0, $0xA;
	s2 =	sadd.s32 s3, s2  }
0x5: {  	s2 =	sadd.s32 s2, s18  }
0x6: {  	[smem:$0x3FC7] =	sst s2  }
0x7: {  	_ = 	snop  }
0x8: {  	s2 =	sld [smem:$0x3FD0];
	(tm) =	ssettm $0x1  }
0x9: {  	s19 =	sld [smem:$0x3FFB];
	_ =	sdelay $0x3  }
0xa: {  	_ =	strace s19  }
0xb: {  	s3 =	sld [smem:$0x3FFC];
	_ =	sdelay $0x3  }
0xc: {  	_ =	strace s3  }
0xd: {  	s3 =	sld [smem:$0x3FFD];
	_ =	sdelay $0x3  }
0xe: {  	_ =	strace s3  }
0xf: {  	_ =	strace $0x8FFFFFFF  }
0x10: {  	s20 =	sld [smem:$0x3FDB];
	_ =	sdelay $0x1  }
0x11: {  	s4 =	simm.s32 $_scs_section_size  }
0x12: {  	s5 =	simm.s32 $_size__tile_overlayer_lowered;
	s6 =	simm.s32 $_tile_overlayer_lowered  }
0x13: {  	s23 =	simm.s32 $0x1BFF;
	s22 =	sshll.u32 s6, $0x1;
	s3 =	sadd.s32 s4, s20  }
0x14: {  	s7 =	simm.s32 $0x0;
	s21 =	sshll.u32 s5, $0x1;
	s5 =	sadd.s32 s22, s3  }
0x15: {  	[timem:s7], [sflag:s23] =	dma.local [hbm:s5], s21  }
0x16: {  	_ =	swait.ge [sflag:s23], s21  }
0x17: {  	s4 =	ssub.s32 $0x0, s21;
	[sflag:s23] =	ssyncset.done $0x0  }
0x18: {  	[sflag:s23] =	ssyncadd.s32 s4;
	_ =	sdelay $0x1  }
0x19: {  	s24 =	simm.s32 $0x1B8B  }
0x1a: {  	_ =	swait.ge [sflag:s24], $0x1  }
0x1b: {  	[sflag:s24] =	ssyncset.done $0x0  }
0x1c: {  	s26 =	simm.s32 $0x1B8E;
	s25 =	sld [smem:$0x3FFE];
	[sflag:s24] =	ssyncadd.s32 $0xFFFFFFFF  }
0x1d: {  	s27 =	simm.s32 $execute0_lowered;
	[smem:$0x3FD2] =	sst s26  }
0x1e: {  	s5 =	sshll.u32 s27, $0x1;
	_ =	strace $0x80000046;
	[dreg:$0x1] =	wrdreg $0xFFFFFFFF  }
0x1f: {  	s28 =	simm.s32 $_size_execute0_lowered;
	s3 =	sadd.s32 s3, s5;
	[dreg:$0x0] =	wrdreg $0x0  }
0x20: {  	s5 =	sshll.u32 s28, $0x1;
	[dreg:$0x2] =	wrdreg s3  }
0x21: {  	[dreg:$0x3] =	wrdreg s5  }
0x22: {  	[dreg:$0x4] =	wrdreg $0xC0  }
0x23: {  	_ =	task [dreg:s7], $0x5FFFF  }
0x24: {  	[dreg:$0x1] =	wrdreg $0xFFFFFFFF  }
0x25: {  	[dreg:$0x0] =	wrdreg $0x60  }
0x26: {  	[dreg:$0x2] =	wrdreg s25  }
0x27: {  	[dreg:$0x3] =	wrdreg s2  }
0x28: {  	[dreg:$0x4] =	wrdreg $0x9  }
0x29: {  	_ =	task.clear_ibuf [dreg:s7], $0x5FFFF;
	_ =	strace $0x90000046  }
0x2a: {  	s29 =	simm.s32 $0x9;
	_ =	strace $0x80000048  }
0x2b: {  	_ =	swait.ge [sflag:s29], $0x1  }
0x2c: {  	[sflag:s29] =	ssyncadd.s32 $0xFFFFFFFF  }
0x2d: {  	_ =	strace $0x90000048  }
0x2e: {  	_ =	sfence  }
0x2f: {  	s30 =	sld [smem:$0x0];
	_ =	sdelay $0x2  }
0x30: {  	s31 =	sshll.u32 s1, $0xD;
	s1 =	sshrl.u32 s1, $0x2  }
0x31: {  	s3 =	sand.u32 $0x4000, s31;
	s1 =	sadd.s32 s1, s30  }
0x32: {  	s0 =	sor.u32 s3, s0;
	s1 =	sshll.u32 s1, $0x11  }
0x33: {  	s0 =	sor.u32 s1, s0  }
0x34: {  	s0 =	sadd.s32 $0x8F2B, s0  }
0x35: {  	[sflag:s0] =	ssyncadd.remote.s32 $0x1  }
0x36: {  	_ =	sfence.sel $0xFFFF  }
0x37: {  	[dreg:$0x0] =	wrdreg $0xFFFFFFFF;
	(pc) =	sbr.abs _section_cstart, $3  }
0x38: {  	[dreg:$0x1] =	wrdreg $0xFFFFFFFF  }
0x39: {  	_ =	task.clear_ibuf [dreg:s7], $0x2FFFF;
	_ =	strace $0x9FFFFFFF  }
0x3a: {  	(tm) =	ssettm $0x7FFFFFFF  }
0x3b: {  	_ =	shalt  }
tec
execute0_lowered:
.L_overlay_start_1:
0x0: {  	(tag) =	ssettag $0x1  }
0x1: {  	s3 =	rddreg [dreg:$0x0]  }
0x2: {  	s2 =	rddreg [dreg:$0x1]  }
0x3: {  	s1 =	srdreg.scid;
	s0 =	rddreg [dreg:$0x2];
	_ =	strace $0x80000047  }
0x4: {  	s7 =	simm.s32 $0x2;
	s15 =	simm.s32 $0x0;
	p0 =	por $0x0, $0x0  }
0x5: {  	s16 =	simm.s32 $0x0;
	s17 =	simm.s32 $0x0;
	s8 =	simm.s32 $0x0  }
0x6: {  	s10 =	simm.s32 $0x0;
	s11 =	simm.s32 $0x0;
	s13 =	simm.s32 $0x0  }
.Ltmp0:
0x7: {  	s9 =	simm.s32 $0x0;
	s4 =	sshll.u32 s1, $0x4;
	(pc) =	sbr.rel .LBB1_1-.Ltmp0, $4  }
0x8: {  	s1 =	stileid.u32;
	s3 =	sadd.s32 $0xA80400, s3;
	s4 =	sand.u32 $0x10, s4  }
0x9: {  	s5 =	sand.u32 $0x3, s1;
	s6 =	sor.u32 s1, s4;
	s4 =	simm.s32 $0x1  }
0xa: {  	s14 =	smov.u32 s5;
	[sflag:s4] =	ssyncpa.u1 $0x0;
	s6 =	sshrl.u32 s6, $0x2  }
0xb: {  	[sflag:s7] =	ssyncpa.u1 $0x0;
	s7 =	simm.s32 $0x3000;
	s12 =	smov.u32 s6  }
.LBB1_5:
0xc: {  	p1 =	slt.u32 s9, $0x2  }
0xd: {  	p2 =	sgt.s32 @!p1 s17, $0x3  }
0xe: {  	s18 =	smov.u32 s17;
	s19 =	sshra.s32 @!p1 s17, $0x1F;
	p2 =	por !p2, p1  }
0xf: {  	p3 =	sgt.s32 @!p1 s16, $0x580;
	s17 =	sand.u32 @!p1 s19, s17;
	s18 =	simm.s32 @p2 $0x3  }
0x10: {  	s20 =	smov.u32 s15;
	p3 =	por !p3, p1;
	s17 =	ssub.s32 @!p1 s18, s17  }
0x11: {  	s19 =	sshra.s32 @!p1 s16, $0x1F;
	s18 =	sadd.s32 @!p1 $0xFFFFFFFD, s17;
	s17 =	ssub.s32 @!p1 $0x4, s17  }
0x12: {  	p2 =	sgt.s32 @!p1 s18, $0x0;
	s18 =	smov.u32 s16;
	s16 =	sand.u32 @!p1 s19, s16  }
0x13: {  	s19 =	sshra.s32 @!p1 s15, $0x1F;
	s18 =	simm.s32 @p3 $0x580;
	p3 =	sgt.s32 @!p1 s15, $0x6F  }
0x14: {  	s17 =	smul.u32 @!p1 $0x70, s17;
	p3 =	por !p3, p1;
	s16 =	ssub.s32 @!p1 s18, s16  }
0x15: {  	s15 =	sand.u32 @!p1 s19, s15;
	s20 =	simm.s32 @p3 $0x6F;
	s18 =	sadd.s32 @!p1 $0xFFFFFA80, s16  }
0x16: {  	p2 =	por !p2, p1;
	s15 =	ssub.s32 @!p1 s20, s15;
	p3 =	sgt.s32 @!p1 s18, $0x7F  }
0x17: {  	s16 =	ssub.s32 @!p1 $0x600, s16;
	s19 =	sadd.s32 @!p1 $0xFFFFFF91, s15;
	p3 =	por !p3, p1  }
0x18: {  	s17 =	simm.s32 @!p2 $0x0;
	s16 =	simm.s32 @!p3 $0x0;
	p3 =	sgt.s32 @!p1 s19, $0x0  }
0x19: {  	s15 =	ssub.s32 @!p1 $0x70, s15;
	p2 =	por !p3, p1;
	s16 =	smul.u32 @!p1 s16, s17  }
0x1a: {  	s18 =	sadd.s32 $0x8, s12;
	s19 =	smov.u32 s13;
	s15 =	simm.s32 @!p2 $0x0  }
0x1b: {  	p2 =	sgt.s32 s18, $0x6F;
	s15 =	smul.u32 @!p1 s15, s16;
	s16 =	sadd.s32 $0x80, s13  }
0x1c: {  	s19 =	smov.u32 @p2 s16  }
0x1d: {  	s21 =	smov.u32 s14;
	s16 =	sadd.s32 $0x4, s14;
	p3 =	sgt.s32 s19, $0x5FF  }
0x1e: {  	s9 =	sadd.s32 $0x1, s9;
	p0 =	por !p0, !p0;
	s21 =	smov.u32 @p3 s16  }
0x1f: {  	s20 =	simm.s32 @!p1 $0x2;
	s18 =	smov.u32 @p2 s6;
	p2 =	sgt.s32 s21, $0x3  }
0x20: {  	s17 =	smov.u32 s11;
	s21 =	smov.u32 @p2 s5;
	p2 =	sne.s32 s9, $0xAA  }
.Ltmp1:
0x21: {  	s11 =	smov.u32 s14;
	s15 =	sand.u32 @!p1 $0x3FFFFFF0, s15;
	(pc) =	sbr.rel @!p2 .LBB1_6-.Ltmp1, $4  }
0x22: {  	_ =	swait.ge @!p1 [sflag:s20], s15;
	s22 =	ssub.s32 @!p1 $0x0, s15;
	s15 =	smov.u32 s8  }
0x23: {  	s16 =	smov.u32 s10;
	s19 =	simm.s32 @p3 $0x0;
	s8 =	smov.u32 s12  }
0x24: {  	s10 =	smov.u32 s13;
	s12 =	smov.u32 s18;
	[sflag:s20] =	ssyncset.done @!p1 $0x0  }
0x25: {  	s13 =	smov.u32 s19;
	[sflag:s20] =	ssyncadd.s32 @!p1 s22;
	s14 =	smov.u32 s21  }
.LBB1_1:
0x26: {  	p1 =	sgt.u32 s9, $0xA7  }
0x27: {  	s18 =	sand.u32 @!p1 $0x1FFFFFF, s12;
	s20 =	smul.u32 @!p1 $0x2A0000, s14  }
0x28: {  	s19 =	smulhi.u32 @!p1 $0x2492493, s18  }
0x29: {  	s22 =	smul.u32 @!p1 $0x700, s13  }
0x2a: {  	s19 =	smul.u32 @!p1 $0x70, s19  }
0x2b: {  	s20 =	sadd.s32 @!p1 s3, s20  }
0x2c: {  	s21 =	sxor.u32 @!p1 $0xFFFFFFFF, s9;
	s20 =	sadd.s32 @!p1 s22, s20;
	s18 =	ssub.s32 @!p1 s18, s19  }
0x2d: {  	s19 =	sshll.u32 @!p1 s21, $0xE;
	s21 =	simm.s32 @!p1 $0x3800;
	s18 =	sshll.u32 @!p1 s18, $0x4  }
0x2e: {  	s19 =	sand.u32 @!p1 $0x4000, s19;
	s18 =	sadd.s32 @!p1 s18, s20;
	s20 =	simm.s32 @!p1 $0x80  }
0x2f: {  	[tilespmem:s19], [sflag:$0x1] =	stream.strided.gather @!p1 [hbm4b:s18+s20], $0x4000, s21, s20, $0x38;
	[tilespmem:$0x10100] =	vst v63  }
0x30: {  	p1 =	seq.s32 s9, $0x0  }
0x31: {  	p2 =	seq.s32 @!p1 s9, $0xA9  }
0x32: {  	p1 =	por p1, p2  }
.Ltmp2:
0x33: {  	_ = 	snop;
	(pc) =	sbr.rel @p1 .LBB1_5-.Ltmp2, $1  }
0x34: {  	_ =	sdelay $0x3  }
0x35: {  	s18 =	simm.s32 $0x1  }
0x36: {  	_ =	swait.ge [sflag:s4], $0x4000;
	s18 =	simm.s32 @!p0 $0x0  }
0x37: {  	[sflag:s4] =	ssyncset.done $0x0;
	s19 =	sshll.u32 s18, $0xE  }
0x38: {  	[sflag:s4] =	ssyncadd.s32 $0xFFFFC000;
	s19 =	sor.u32 $0x40, s19  }
0x39: {  	s18 =	smul.u32 $0x10200, s18;
	v0 =	vld [tilespmem:s19+$0x30]  }
0x3a: {  	v1 =	vld [tilespmem:s19+$0xFFFFFFD0]  }
0x3b: {  	s18 =	sshrl.u32 s18, $0x2;
	v5 =	vld [tilespmem:s19+$0xFFFFFFE0]  }
0x3c: {  	v6 =	vld [tilespmem:s19+$0xFFFFFFF0];
	s21 =	sor.u32 $0x8000, s18  }
0x3d: {  	s31 =	sand.u32 $0x1, s9;
	v4 =	vld [tilespmem:s19+$0x0];
	s20 =	sadd.s32 $0x0, s21  }
0x3e: {  	v3 =	vld [tilespmem:s19+$0x10];
	s18 =	smul.u32 $0x10200, s31;
	[tilespmem:s20+$0x3870 ss:$0x81] =	vst.msk $0xffff, v0  }
0x3f: {  	v2 =	vld [tilespmem:s19+$0x20];
	[tilespmem:s20+$0x810 ss:$0x81] =	vst.msk $0xffff, v1  }
0x40: {  	s18 =	sshrl.u32 s18, $0x2;
	v1 =	vld [tilespmem:s19+$0xFFFFFFC0];
	[tilespmem:s20+$0x1020 ss:$0x81] =	vst.msk $0xffff, v5;
	s19 =	sadd.s32 $0x80, s19  }
0x41: {  	s22 =	simm.s32 $0x4;
	s23 =	simm.s32 $0x8;
	s18 =	sor.u32 $0x8000, s18;
	[tilespmem:s20+$0x1830 ss:$0x81] =	vst.msk $0xffff, v6;
	v0 =	vld [tilespmem:s19+$0x30]  }
.LBB1_3:
0x42: {  	p1 =	sne.s32 s23, $0x1FC;
	v5 =	vld [tilespmem:s19+$0xFFFFFFD0];
	[tilespmem:s20+$0x2040 ss:$0x81] =	vst.msk $0xffff, v4  }
0x43: {  	v6 =	vld [tilespmem:s19+$0xFFFFFFE0];
	[tilespmem:s20+$0x2850 ss:$0x81] =	vst.msk $0xffff, v3  }
0x44: {  	s24 =	sshra.s32 s22, $0x2;
	s22 =	smov.u32 s23;
	v7 =	vld [tilespmem:s19+$0xFFFFFFF0];
	[tilespmem:s20+$0x3060 ss:$0x81] =	vst.msk $0xffff, v2  }
.Ltmp3:
0x45: {  	v4 =	vld [tilespmem:s19+$0x0];
	[tilespmem:s20+$0x0 ss:$0x81] =	vst.msk $0xffff, v1;
	s20 =	sadd.s32 s24, s21;
	(pc) =	sbr.rel @p1 .LBB1_3-.Ltmp3, $4  }
0x46: {  	v3 =	vld [tilespmem:s19+$0x10];
	[tilespmem:s20+$0x3870 ss:$0x81] =	vst.msk $0xffff, v0  }
0x47: {  	[tilespmem:s20+$0x810 ss:$0x81] =	vst.msk $0xffff, v5;
	v2 =	vld [tilespmem:s19+$0x20]  }
0x48: {  	v1 =	vld [tilespmem:s19+$0xFFFFFFC0];
	[tilespmem:s20+$0x1020 ss:$0x81] =	vst.msk $0xffff, v6;
	s19 =	sadd.s32 $0x80, s19  }
0x49: {  	s23 =	sadd.s32 $0x4, s23;
	v0 =	vld [tilespmem:s19+$0x30];
	[tilespmem:s20+$0x1830 ss:$0x81] =	vst.msk $0xffff, v7  }
0x4a: {  	s23 =	sshll.u32 s10, $0x3  }
0x4b: {  	s24 =	sand.u32 $0x7F, s10;
	s22 =	sshra.s32 s22, $0x2;
	p1 =	sgt.s32 s11, $0x3  }
0x4c: {  	s27 =	smov.u32 s11;
	s28 =	sshra.s32 s11, $0x1F;
	p2 =	sgt.s32 s10, $0x580  }
0x4d: {  	s29 =	sshra.s32 s10, $0x1F;
	s23 =	sand.u32 $0xFFFFFC00, s23;
	s27 =	simm.s32 @!p1 $0x3  }
0x4e: {  	s28 =	sand.u32 s28, s11;
	s21 =	sadd.s32 s22, s21;
	s31 =	sand.u32 s29, s10  }
0x4f: {  	s29 =	smov.u32 s8;
	s24 =	sor.u32 s24, s23;
	s23 =	smulhi.u32 $0xAAAAAAAB, s23  }
0x50: {  	s30 =	ssub.s32 s27, s28;
	s28 =	smov.u32 s10;
	s25 =	smulhi.u32 $0xAAAAAAAB, s24  }
0x51: {  	s27 =	sadd.s32 $0xFFFFFFFD, s30;
	s28 =	simm.s32 @!p2 $0x580;
	s23 =	sshrl.u32 s23, $0xA  }
0x52: {  	p2 =	sgt.s32 s8, $0x6F;
	s25 =	sshrl.u32 s25, $0xA;
	s26 =	smulhi.u32 $0x2492493, s23  }
0x53: {  	v5 =	vld [tilespmem:s19+$0xFFFFFFD0];
	[tilespmem:s20+$0x2040 ss:$0x81] =	vst.msk $0xffff, v4;
	p1 =	sgt.s32 s27, $0x0;
	s27 =	ssub.s32 s28, s31;
	s25 =	smul.u32 $0x600, s25  }
0x54: {  	v58 =	vld [tilespmem:s19+$0xFFFFFFE0];
	[tilespmem:s20+$0x2850 ss:$0x81] =	vst.msk $0xffff, v3;
	s29 =	simm.s32 @!p2 $0x6F;
	s22 =	smul.u32 $0x70, s26;
	s26 =	ssub.s32 $0x4, s30  }
0x55: {  	v59 =	vld [tilespmem:s19+$0xFFFFFFF0];
	[tilespmem:s20+$0x3060 ss:$0x81] =	vst.msk $0xffff, v2;
	s28 =	sadd.s32 $0xFFFFFA80, s27;
	s27 =	ssub.s32 $0x600, s27;
	s26 =	smul.u32 $0x70, s26  }
0x56: {  	v60 =	vld [tilespmem:s19+$0x0];
	[tilespmem:s20+$0x0 ss:$0x81] =	vst.msk $0xffff, v1;
	p2 =	sgt.s32 s28, $0x7F;
	s28 =	smul.u32 $0x5400, s8;
	s30 =	sshra.s32 s8, $0x1F  }
0x57: {  	v61 =	vld [tilespmem:s19+$0x10];
	[tilespmem:s21+$0x3870 ss:$0x81] =	vst.msk $0xffff, v0;
	s27 =	simm.s32 @p2 $0x0;
	s20 =	sand.u32 s30, s8;
	s26 =	simm.s32 @p1 $0x0  }
0x58: {  	v62 =	vld [tilespmem:s19+$0x20];
	[tilespmem:s21+$0x810 ss:$0x81] =	vst.msk $0xffff, v5;
	s24 =	ssub.s32 s24, s25;
	s20 =	ssub.s32 s29, s20;
	s31 =	smul.u32 s27, s26  }
0x59: {  	v63 =	vld [tilespmem:s19+$0xFFFFFFC0];
	[tilespmem:s21+$0x1020 ss:$0x81] =	vst.msk $0xffff, v58;
	s23 =	ssub.s32 s23, s22;
	s26 =	sadd.s32 $0xFFFFFF91, s20;
	s27 =	smul.u32 $0x24C000, s11  }
0x5a: {  	[tilespmem:s21+$0x1830 ss:$0x81] =	vst.msk $0xffff, v59;
	s19 =	smul.u32 $0xC0, s23;
	s20 =	ssub.s32 $0x70, s20;
	p1 =	sgt.s32 s26, $0x0  }
.Ltmp4:
0x5b: {  	[tilespmem:s21+$0x2040 ss:$0x81] =	vst.msk $0xffff, v60;
	s20 =	simm.s32 @p1 $0x0;
	s23 =	sadd.s32 s2, s27;
	(pc) =	sbr.rel .LBB1_5-.Ltmp4, $4  }
0x5c: {  	[tilespmem:s21+$0x2850 ss:$0x81] =	vst.msk $0xffff, v61;
	s29 =	sand.u32 $0x7, s24;
	s20 =	smul.u32 s20, s31;
	s22 =	sadd.s32 s28, s23  }
0x5d: {  	[tilespmem:s21+$0x3060 ss:$0x81] =	vst.msk $0xffff, v62;
	s24 =	sshrl.u32 s24, $0x3;
	s30 =	sshll.u32 s29, $0x12;
	s19 =	sadd.s32 s19, s22  }
0x5e: {  	[tilespmem:s21+$0x0 ss:$0x81] =	vst.msk $0xffff, v63;
	s31 =	sor.u32 $0x400, s30;
	s20 =	sand.u32 $0x3FFFFFF0, s20;
	s19 =	sadd.s32 s24, s19  }
0x5f: {  	[hbm4b:s19+s31] =	stream.strided.scatter [tilespmem:s18], [sflag:$0x2], s20, s7, s31, $0x20;
	[tilespmem:$0x10100] =	vst v63  }
.LBB1_6:
0x60: {  	_ =	sfence.sel $0x180000  }
0x61: {  	s2 =	simm.s32 $0x1;
	[bflag:$0x0] =	sbarrier.arrive $0xFFFF  }
0x62: {  	s31 =	simm.s32 $0x2;
	[sflag:s2] =	ssyncpa.u1 $0x1  }
0x63: {  	[sflag:s31] =	ssyncpa.u1 $0x1  }
0x64: {  	p0 =	sne.s32 s1, $0x0;
	_ =	strace $0x90000047  }
0x65: {  	s0 =	sadd.s32 @!p0 $0x100000, s0;
	[bflag:$0x2] =	sbarrier.arrive $0xFFFF  }
0x66: {  	[sflag:s0] =	ssyncadd.tile.s32 @!p0 $0x1;
	_ =	shalt  }
.Lfunc_end1:
_tile_overlayer_lowered:
.L_overlay_start_2:
0x67: {  	(tag) =	ssettag $0x2  }
0x68: {  	s0 =	rddreg [dreg:$0x0];
	s2 =	stileid.u32  }
0x69: {  	s1 =	rddreg [dreg:$0x1];
	p0 =	sne.s32 s2, $0x0  }
0x6a: {  	s3 =	rddreg [dreg:$0x2];
	[bflag:$0x3] =	sbarrier.arrive $0xFFFF;
	s2 =	simm.s32 @!p0 $0x1C01  }
0x6b: {  	[timem:s3], [sflag:s2] =	dma.local @!p0 [hbm:s0], s1  }
0x6c: {  	s0 =	simm.s32 @!p0 $0x1  }
0x6d: {  	_ =	swait.ge @!p0 [sflag:s0], s1  }
0x6e: {  	s1 =	ssub.s32 @!p0 $0x0, s1;
	[sflag:s0] =	ssyncset.done @!p0 $0x0  }
0x6f: {  	[sflag:s0] =	ssyncadd.s32 @!p0 s1  }
0x70: {  	[bflag:$0x3] =	sbarrier.arrive $0xFFFF  }
0x71: {  	_ =	shalt  }

</sc_bundles>
